<compile_context>
chip_gen: v7x
topology: tpu7x:2x2x1
jax: 0.10.2.dev20260603
libtpu: 0.0.44.dev20260713+nightly
codegen_flags: <defaults>
</compile_context>

<pallas_src>
import functools
import jax
import jax.numpy as jnp
from jax import lax
from jax.experimental import pallas as pl
from jax.experimental.pallas import tpu as pltpu
from jax.experimental.pallas import tpu_sc as plsc

_N = 10000
_E = 320000
_D = 128
_C = 64

_NSC = 2
_NSUB = 16
_NW = _NSC * _NSUB

_N_PAD = 10240
_ROWS_TILE = _N_PAD // _NSUB
_CHUNK = 128
_CH_PER_TILE = -(-_E // (_NW * _CHUNK))
_E_TILE = _CH_PER_TILE * _CHUNK
_E_PAD = _NW * _E_TILE

_mesh = plsc.VectorSubcoreMesh(core_axis_name="c", subcore_axis_name="s")


_DEG_W = 16


def _deg_body(dst_hbm, ones_hbm, zeros_hbm, out_hbm, dst_v, ones_v, acc_sh):
    c = lax.axis_index("c")
    s = lax.axis_index("s")
    w = c * _NSUB + s

    pltpu.sync_copy(zeros_hbm.at[pl.ds(s * _ROWS_TILE, _ROWS_TILE)],
                    acc_sh.at[pl.ds(s * _ROWS_TILE, _ROWS_TILE)])
    pltpu.sync_copy(dst_hbm.at[w], dst_v)
    pltpu.sync_copy(ones_hbm, ones_v)
    plsc.subcore_barrier()

    def body(j, _):
        pltpu.sync_copy(ones_v, acc_sh.at[dst_v.at[j]], add=True)
        return 0

    lax.fori_loop(0, _CH_PER_TILE, body, 0)

    plsc.subcore_barrier()
    pltpu.sync_copy(acc_sh.at[pl.ds(s * _ROWS_TILE, _ROWS_TILE)],
                    out_hbm.at[c, pl.ds(s * _ROWS_TILE, _ROWS_TILE)])


@jax.jit
def _deg_call(dstp, ones_blk, zeros_deg):
    k = functools.partial(
        pl.kernel,
        mesh=_mesh,
        compiler_params=pltpu.CompilerParams(use_tc_tiling_on_sc=False),
        out_type=jax.ShapeDtypeStruct((_NSC, _N_PAD, _DEG_W), jnp.float32),
        scratch_types=[
            pltpu.VMEM((_CH_PER_TILE, _CHUNK), jnp.int32),
            pltpu.VMEM((_CHUNK, _DEG_W), jnp.float32),
            pltpu.VMEM_SHARED((_N_PAD, _DEG_W), jnp.float32),
        ],
    )(_deg_body)
    return k(dstp, ones_blk, zeros_deg)


def _hop_body(y_hbm, src_hbm, dst_hbm, zeros_hbm, out_hbm,
              src_v, dst_v, rows_v, acc_sh, y_sh, sem, sem2):
    c = lax.axis_index("c")
    s = lax.axis_index("s")
    w = c * _NSUB + s

    pltpu.sync_copy(zeros_hbm.at[pl.ds(s * _ROWS_TILE, _ROWS_TILE)],
                    acc_sh.at[pl.ds(s * _ROWS_TILE, _ROWS_TILE)])
    pltpu.sync_copy(y_hbm.at[pl.ds(s * _ROWS_TILE, _ROWS_TILE)],
                    y_sh.at[pl.ds(s * _ROWS_TILE, _ROWS_TILE)])
    pltpu.sync_copy(src_hbm.at[w], src_v)
    pltpu.sync_copy(dst_hbm.at[w], dst_v)
    plsc.subcore_barrier()

    pltpu.async_copy(y_sh.at[src_v.at[0]], rows_v.at[0], sem)
    pltpu.async_copy(y_sh.at[src_v.at[1]], rows_v.at[1], sem2)
    sems = (sem, sem2)

    def body(t, _):
        for b in range(2):
            j = 2 * t + b
            pltpu.make_async_copy(y_sh.at[src_v.at[j]],
                                  rows_v.at[b], sems[b]).wait()
            pltpu.sync_copy(rows_v.at[b], acc_sh.at[dst_v.at[j]], add=True)

            @pl.when(j + 2 < _CH_PER_TILE)
            def _():
                pltpu.async_copy(y_sh.at[src_v.at[j + 2]],
                                 rows_v.at[b], sems[b])
        return 0

    lax.fori_loop(0, _CH_PER_TILE // 2, body, 0)

    if _CH_PER_TILE % 2 == 1:
        jl = _CH_PER_TILE - 1
        bl = jl % 2
        pltpu.make_async_copy(y_sh.at[src_v.at[jl]],
                              rows_v.at[bl], sems[bl]).wait()
        pltpu.sync_copy(rows_v.at[bl], acc_sh.at[dst_v.at[jl]], add=True)

    plsc.subcore_barrier()
    pltpu.sync_copy(acc_sh.at[pl.ds(s * _ROWS_TILE, _ROWS_TILE)],
                    out_hbm.at[c, pl.ds(s * _ROWS_TILE, _ROWS_TILE)])


@jax.jit
def _hop_call(y, srcp, dstp, zeros_pad):
    k = functools.partial(
        pl.kernel,
        mesh=_mesh,
        compiler_params=pltpu.CompilerParams(use_tc_tiling_on_sc=False),
        out_type=jax.ShapeDtypeStruct((_NSC, _N_PAD, _C), jnp.float32),
        scratch_types=[
            pltpu.VMEM((_CH_PER_TILE, _CHUNK), jnp.int32),
            pltpu.VMEM((_CH_PER_TILE, _CHUNK), jnp.int32),
            pltpu.VMEM((2, _CHUNK, _C), jnp.float32),
            pltpu.VMEM_SHARED((_N_PAD, _C), jnp.float32),
            pltpu.VMEM_SHARED((_N_PAD, _C), jnp.float32),
            pltpu.SemaphoreType.DMA,
            pltpu.SemaphoreType.DMA,
        ],
    )(_hop_body)
    return k(y, srcp, dstp, zeros_pad)


_SB = 320


def _midsc_body(p_hbm, degp_hbm, y_hbm, pa_v, dg_v):
    c = lax.axis_index("c")
    s = lax.axis_index("s")
    w = c * _NSUB + s
    half = _N_PAD // _NW

    r0 = w * half
    pltpu.sync_copy(p_hbm.at[0, pl.ds(r0, _SB)], pa_v.at[0])
    pltpu.sync_copy(p_hbm.at[1, pl.ds(r0, _SB)], pa_v.at[1])
    pltpu.sync_copy(degp_hbm.at[0, pl.ds(r0, _SB)], dg_v.at[0])
    pltpu.sync_copy(degp_hbm.at[1, pl.ds(r0, _SB)], dg_v.at[1])

    def rowfn(i, _):
        d16 = dg_v[0, i] + dg_v[1, i]
        r16 = 1.0 / jnp.maximum(d16, 1.0)
        for q in range(_C // 16):
            v = (pa_v[0, i, pl.ds(16 * q, 16)]
                 + pa_v[1, i, pl.ds(16 * q, 16)]) * r16
            pa_v[0, i, pl.ds(16 * q, 16)] = v
        return 0

    lax.fori_loop(0, _SB, rowfn, 0)
    pltpu.sync_copy(pa_v.at[0], y_hbm.at[pl.ds(r0, _SB)])


@jax.jit
def _midsc_call(p, degp):
    k = functools.partial(
        pl.kernel,
        mesh=_mesh,
        compiler_params=pltpu.CompilerParams(use_tc_tiling_on_sc=False),
        out_type=jax.ShapeDtypeStruct((_N_PAD, _C), jnp.float32),
        scratch_types=[
            pltpu.VMEM((2, _SB, _C), jnp.float32),
            pltpu.VMEM((2, _SB, _DEG_W), jnp.float32),
        ],
    )(_midsc_body)
    return k(p, degp)


_BLK = 256


def _prep_body(feat_ref, w_ref, degp_ref, y0_ref):
    deg = degp_ref[0, :, 0] + degp_ref[1, :, 0]
    norm = lax.rsqrt(jnp.maximum(deg, 1.0))
    acc = jnp.dot(feat_ref[...], w_ref[...],
                  preferred_element_type=jnp.float32)
    y0_ref[...] = acc * norm[:, None]


@jax.jit
def _prep_call(featp, W, degp):
    return pl.pallas_call(
        _prep_body,
        grid=(_N_PAD // _BLK,),
        in_specs=[
            pl.BlockSpec((_BLK, _D), lambda i: (i, 0)),
            pl.BlockSpec((_D, _C), lambda i: (0, 0)),
            pl.BlockSpec((_NSC, _BLK, _DEG_W), lambda i: (0, i, 0)),
        ],
        out_specs=pl.BlockSpec((_BLK, _C), lambda i: (i, 0)),
        out_shape=jax.ShapeDtypeStruct((_N_PAD, _C), jnp.float32),
    )(featp, W, degp)


def _mid_body(p_ref, degp_ref, y_ref):
    deg = jnp.maximum(degp_ref[0, :, 0] + degp_ref[1, :, 0], 1.0)
    y_ref[...] = (p_ref[0] + p_ref[1]) * (1.0 / deg)[:, None]


@jax.jit
def _mid_call(p, degp):
    return pl.pallas_call(
        _mid_body,
        grid=(_N_PAD // _BLK,),
        in_specs=[
            pl.BlockSpec((_NSC, _BLK, _C), lambda i: (0, i, 0)),
            pl.BlockSpec((_NSC, _BLK, _DEG_W), lambda i: (0, i, 0)),
        ],
        out_specs=pl.BlockSpec((_BLK, _C), lambda i: (i, 0)),
        out_shape=jax.ShapeDtypeStruct((_N_PAD, _C), jnp.float32),
    )(p, degp)


def _fin_body(p_ref, degp_ref, out_ref, logits_ref):
    deg = jnp.maximum(degp_ref[0, :, 0] + degp_ref[1, :, 0], 1.0)
    norm = lax.rsqrt(deg)
    logits = (p_ref[0] + p_ref[1]) * norm[:, None]
    logits_ref[...] = logits
    m = jnp.max(logits, axis=1, keepdims=True)
    e = jnp.exp(logits - m)
    out_ref[...] = e / jnp.sum(e, axis=1, keepdims=True)


@jax.jit
def _fin_call(p, degp):
    return pl.pallas_call(
        _fin_body,
        grid=(_N_PAD // _BLK,),
        in_specs=[
            pl.BlockSpec((_NSC, _BLK, _C), lambda i: (0, i, 0)),
            pl.BlockSpec((_NSC, _BLK, _DEG_W), lambda i: (0, i, 0)),
        ],
        out_specs=[
            pl.BlockSpec((_BLK, _C), lambda i: (i, 0)),
            pl.BlockSpec((_BLK, _C), lambda i: (i, 0)),
        ],
        out_shape=[
            jax.ShapeDtypeStruct((_N_PAD, _C), jnp.float32),
            jax.ShapeDtypeStruct((_N_PAD, _C), jnp.float32),
        ],
    )(p, degp)


def kernel(features, edge_index, W):
    src = edge_index[0]
    dst = edge_index[1]
    pad_idx = jnp.full((_E_PAD - _E,), _N_PAD - 1, jnp.int32)
    srcp = jnp.concatenate([src, pad_idx]).reshape(_NW, _CH_PER_TILE, _CHUNK)
    dstp = jnp.concatenate([dst, pad_idx]).reshape(_NW, _CH_PER_TILE, _CHUNK)
    featp = jnp.pad(features, ((0, _N_PAD - _N), (0, 0)))
    zeros_pad = jnp.zeros((_N_PAD, _C), jnp.float32)
    ones_blk = jnp.ones((_CHUNK, _DEG_W), jnp.float32)
    zeros_deg = jnp.zeros((_N_PAD, _DEG_W), jnp.float32)

    degp = _deg_call(dstp, ones_blk, zeros_deg)
    y0 = _prep_call(featp, W, degp)
    p1 = _hop_call(y0, srcp, dstp, zeros_pad)
    y1 = _midsc_call(p1, degp)
    p2 = _hop_call(y1, srcp, dstp, zeros_pad)
    out_pad, logits_pad = _fin_call(p2, degp)
    return out_pad[:_N], logits_pad[:_N]

# --- scband reference (transcript-rebuilt; emitter-appended) ---
"""Pipeline reference for scband-gcnetwork-89103391523473 (READ-ONLY COPY).

The authoritative reference and input builder live on the scoring server;
editing this copy changes nothing except your own understanding.
"""

import jax, jax.numpy as jnp
import numpy as np

N = 10000
E = 320000
D = 128
C = 64
K = 2

def setup_inputs(seed: int = 0) -> dict:
    key = jax.random.key(seed)
    k1, k2, k3 = jax.random.split(key, 3)
    features = jax.random.normal(k1, (N, D), dtype=jnp.float32)
    edge_index = jax.random.randint(k2, (2, E), 0, N, dtype=jnp.int32)
    # Linear layer weight of the SGConv (fc), bias=False
    W = jax.random.normal(k3, (D, C), dtype=jnp.float32) * (1.0 / np.sqrt(D))
    return {"features": features, "edge_index": edge_index, "W": W}

def reference(features, edge_index, W):
    # GCNetwork.forward: h = dropout(features) -> SGConv(g, h) -> (softmax(h), h)
    # Dropout is identity in eval mode (p=0.0).
    src = edge_index[0]
    dst = edge_index[1]
    # Symmetric normalization as in DGL SGConv (norm based on in-degrees, clamped at 1)
    deg = jnp.zeros((N,), dtype=features.dtype).at[dst].add(1.0)
    deg = jnp.clip(deg, 1.0, None)
    norm = deg ** (-0.5)
    h = features
    for _ in range(K):
        h = h * norm[:, None]
        # message passing: sum over incoming edges (copy_u -> sum)
        h = jax.ops.segment_sum(h[src], dst, num_segments=N)
        h = h * norm[:, None]
    logits = h @ W
    out = jax.nn.softmax(logits, axis=1)
    return (out, logits)

if __name__ == "__main__":
    import jax
    _d = setup_inputs()
    print(jax.jit(kernel)(*tuple(_d.values())))

</pallas_src>

<mosaic_0001>
#map = affine_map<(d0, d1) -> (0, 0, 0)>
#map1 = affine_map<(d0, d1) -> (0, 0)>
module attributes {stable_mosaic.version = 14 : i64} {
  func.func @_deg_body(%arg0: i32, %arg1: i32, %arg2: memref<32x79x128xi32, #tpu.memory_space<hbm>>, %arg3: memref<128x16xf32, #tpu.memory_space<hbm>>, %arg4: memref<10240x16xf32, #tpu.memory_space<hbm>>, %arg5: memref<2x10240x16xf32, #tpu.memory_space<hbm>>, %arg6: memref<79x128xi32, #tpu.memory_space<vmem>>, %arg7: memref<128x16xf32, #tpu.memory_space<vmem>>, %arg8: memref<10240x16xf32, #tpu.memory_space<vmem_shared>>) attributes {dimension_semantics = [#tpu.dimension_semantics<core_parallel>, #tpu.dimension_semantics<subcore_parallel>], iteration_bounds = array<i64: 2, 16>, scalar_prefetch = 0 : i64, scratch_operands = 3 : i64, tpu.core_type = #tpu.core_type<sc_vector_subcore>, window_params = [{transform_indices = #map}, {transform_indices = #map1}, {transform_indices = #map1}, {transform_indices = #map}]} {
    %mul3A = arith.constant 16 : i32
    %mul3A_0 = arith.muli %arg0, %mul3A : i32
    %add3A = arith.addi %mul3A_0, %arg1 : i32
    %mul3A_1 = arith.constant 640 : i32
    %mul3A_2 = arith.muli %arg1, %mul3A_1 : i32
    %mul3A_3 = arith.constant 640 : i32
    %mul3A_4 = arith.muli %arg1, %mul3A_3 : i32
    "tpu.region"() ({
      %run_scoped3A = tpu.sem_alloc : memref<!tpu.dma_semaphore, #tpu.memory_space<semaphore_mem>>
      %dma_start3A = arith.constant 0 : i32
      %dma_start3A_16 = tpu.memref_slice %arg8[%mul3A_4, %dma_start3A] : memref<10240x16xf32, #tpu.memory_space<vmem_shared>> -> memref<640x16xf32, #tpu.memory_space<vmem_shared>>
      %dma_start3A_17 = arith.constant 0 : i32
      %dma_start3A_18 = tpu.memref_slice %arg4[%mul3A_2, %dma_start3A_17] : memref<10240x16xf32, #tpu.memory_space<hbm>> -> memref<640x16xf32, #tpu.memory_space<hbm>>
      tpu.enqueue_dma source(%dma_start3A_18 : memref<640x16xf32, #tpu.memory_space<hbm>>) target(%dma_start3A_16 : memref<640x16xf32, #tpu.memory_space<vmem_shared>>) target_semaphore(%run_scoped3A : memref<!tpu.dma_semaphore, #tpu.memory_space<semaphore_mem>>)
      %dma_wait3A = arith.constant 0 : i32
      %dma_wait3A_19 = tpu.memref_slice %arg8[%mul3A_4, %dma_wait3A] : memref<10240x16xf32, #tpu.memory_space<vmem_shared>> -> memref<640x16xf32, #tpu.memory_space<vmem_shared>>
      %dma_wait3A_20 = arith.constant 0 : i32
      %dma_wait3A_21 = tpu.memref_slice %arg4[%mul3A_2, %dma_wait3A_20] : memref<10240x16xf32, #tpu.memory_space<hbm>> -> memref<640x16xf32, #tpu.memory_space<hbm>>
      tpu.wait_dma2 semaphore(%run_scoped3A : memref<!tpu.dma_semaphore, #tpu.memory_space<semaphore_mem>>) src(%dma_wait3A_21 : memref<640x16xf32, #tpu.memory_space<hbm>>) dst(%dma_wait3A_19 : memref<640x16xf32, #tpu.memory_space<vmem_shared>>)
      tpu.yield
    }) : () -> ()
    "tpu.region"() ({
      %run_scoped3A = tpu.sem_alloc : memref<!tpu.dma_semaphore, #tpu.memory_space<semaphore_mem>>
      %dma_start3A = arith.constant 0 : i32
      %dma_start3A_16 = arith.constant 0 : i32
      %dma_start3A_17 = tpu.memref_slice %arg2[%add3A, %dma_start3A, %dma_start3A_16] : memref<32x79x128xi32, #tpu.memory_space<hbm>> -> memref<1x79x128xi32, #tpu.memory_space<hbm>>
      %dma_start3A_18 = tpu.memref_squeeze %dma_start3A_17 : memref<1x79x128xi32, #tpu.memory_space<hbm>> -> memref<79x128xi32, #tpu.memory_space<hbm>>
      %dma_start3A_19 = arith.constant 0 : i32
      %dma_start3A_20 = arith.constant 0 : i32
      %dma_start3A_21 = tpu.memref_slice %arg2[%add3A, %dma_start3A_19, %dma_start3A_20] : memref<32x79x128xi32, #tpu.memory_space<hbm>> -> memref<1x79x128xi32, #tpu.memory_space<hbm>>
      %dma_start3A_22 = tpu.memref_squeeze %dma_start3A_21 : memref<1x79x128xi32, #tpu.memory_space<hbm>> -> memref<79x128xi32, #tpu.memory_space<hbm>>
      tpu.enqueue_dma source(%dma_start3A_22 : memref<79x128xi32, #tpu.memory_space<hbm>>) target(%arg6 : memref<79x128xi32, #tpu.memory_space<vmem>>) target_semaphore(%run_scoped3A : memref<!tpu.dma_semaphore, #tpu.memory_space<semaphore_mem>>)
      %dma_wait3A = arith.constant 0 : i32
      %dma_wait3A_23 = arith.constant 0 : i32
      %dma_wait3A_24 = tpu.memref_slice %arg2[%add3A, %dma_wait3A, %dma_wait3A_23] : memref<32x79x128xi32, #tpu.memory_space<hbm>> -> memref<1x79x128xi32, #tpu.memory_space<hbm>>
      %dma_wait3A_25 = tpu.memref_squeeze %dma_wait3A_24 : memref<1x79x128xi32, #tpu.memory_space<hbm>> -> memref<79x128xi32, #tpu.memory_space<hbm>>
      %dma_wait3A_26 = arith.constant 0 : i32
      %dma_wait3A_27 = arith.constant 0 : i32
      %dma_wait3A_28 = tpu.memref_slice %arg2[%add3A, %dma_wait3A_26, %dma_wait3A_27] : memref<32x79x128xi32, #tpu.memory_space<hbm>> -> memref<1x79x128xi32, #tpu.memory_space<hbm>>
      %dma_wait3A_29 = tpu.memref_squeeze %dma_wait3A_28 : memref<1x79x128xi32, #tpu.memory_space<hbm>> -> memref<79x128xi32, #tpu.memory_space<hbm>>
      tpu.wait_dma2 semaphore(%run_scoped3A : memref<!tpu.dma_semaphore, #tpu.memory_space<semaphore_mem>>) src(%dma_wait3A_29 : memref<79x128xi32, #tpu.memory_space<hbm>>) dst(%arg6 : memref<79x128xi32, #tpu.memory_space<vmem>>)
      tpu.yield
    }) : () -> ()
    "tpu.region"() ({
      %run_scoped3A = tpu.sem_alloc : memref<!tpu.dma_semaphore, #tpu.memory_space<semaphore_mem>>
      tpu.enqueue_dma source(%arg3 : memref<128x16xf32, #tpu.memory_space<hbm>>) target(%arg7 : memref<128x16xf32, #tpu.memory_space<vmem>>) target_semaphore(%run_scoped3A : memref<!tpu.dma_semaphore, #tpu.memory_space<semaphore_mem>>)
      tpu.wait_dma2 semaphore(%run_scoped3A : memref<!tpu.dma_semaphore, #tpu.memory_space<semaphore_mem>>) src(%arg3 : memref<128x16xf32, #tpu.memory_space<hbm>>) dst(%arg7 : memref<128x16xf32, #tpu.memory_space<vmem>>)
      tpu.yield
    }) : () -> ()
    %barrier3A = arith.constant 0 : index
    tpu.barrier barrier_id(%barrier3A)
    %scan3A = arith.constant 0 : i32
    %scan3A_5 = arith.constant 0 : i32
    %scan3A_6 = arith.constant 79 : i32
    %scan3A_7 = arith.addi %scan3A_5, %scan3A_6 : i32
    %scan3A_8 = arith.constant 1 : i32
    %scan3A_9 = scf.for %scan3A_16 = %scan3A_5 to %scan3A_7 step %scan3A_8 iter_args(%scan3A_17 = %scan3A) -> (i32)  : i32 {
      "tpu.region"() ({
        %run_scoped3A = tpu.sem_alloc : memref<!tpu.dma_semaphore, #tpu.memory_space<semaphore_mem>>
        %dma_start3A = arith.constant 0 : i32
        %dma_start3A_19 = tpu.memref_slice %arg6[%scan3A_16, %dma_start3A] : memref<79x128xi32, #tpu.memory_space<vmem>> -> memref<1x128xi32, #tpu.memory_space<vmem>>
        %dma_start3A_20 = tpu.memref_squeeze %dma_start3A_19 : memref<1x128xi32, #tpu.memory_space<vmem>> -> memref<128xi32, #tpu.memory_space<vmem>>
        %dma_start3A_21 = arith.constant 0 : i32
        %dma_start3A_22 = arith.constant 0 : i32
        %dma_start3A_23 = tpu.memref_slice %arg8[%dma_start3A_21, %dma_start3A_22] : memref<10240x16xf32, #tpu.memory_space<vmem_shared>> -> memref<10240x16xf32, #tpu.memory_space<vmem_shared>>
        tpu.enqueue_indirect_dma source(%arg7 : memref<128x16xf32, #tpu.memory_space<vmem>>) target(%dma_start3A_23 : memref<10240x16xf32, #tpu.memory_space<vmem_shared>>) offsets(%dma_start3A_20 : memref<128xi32, #tpu.memory_space<vmem>>) semaphore(%run_scoped3A : memref<!tpu.dma_semaphore, #tpu.memory_space<semaphore_mem>>) {add = true}
        %dma_wait3A = arith.constant 0 : i32
        %dma_wait3A_24 = tpu.memref_slice %arg6[%scan3A_16, %dma_wait3A] : memref<79x128xi32, #tpu.memory_space<vmem>> -> memref<1x128xi32, #tpu.memory_space<vmem>>
        %dma_wait3A_25 = tpu.memref_squeeze %dma_wait3A_24 : memref<1x128xi32, #tpu.memory_space<vmem>> -> memref<128xi32, #tpu.memory_space<vmem>>
        %dma_wait3A_26 = arith.constant 0 : i32
        %dma_wait3A_27 = arith.constant 0 : i32
        %dma_wait3A_28 = tpu.memref_slice %arg8[%dma_wait3A_26, %dma_wait3A_27] : memref<10240x16xf32, #tpu.memory_space<vmem_shared>> -> memref<10240x16xf32, #tpu.memory_space<vmem_shared>>
        tpu.wait_indirect_dma semaphore(%run_scoped3A : memref<!tpu.dma_semaphore, #tpu.memory_space<semaphore_mem>>) src(%arg7 : memref<128x16xf32, #tpu.memory_space<vmem>>) dst(%dma_wait3A_28 : memref<10240x16xf32, #tpu.memory_space<vmem_shared>>)
        tpu.yield
      }) : () -> ()
      %scan3A_18 = arith.constant 0 : i32
      scf.yield %scan3A_18 : i32
    }
    %scan3A_10 = arith.constant 79 : i32
    %barrier3A_11 = arith.constant 0 : index
    tpu.barrier barrier_id(%barrier3A_11)
    %mul3A_12 = arith.constant 640 : i32
    %mul3A_13 = arith.muli %arg1, %mul3A_12 : i32
    %mul3A_14 = arith.constant 640 : i32
    %mul3A_15 = arith.muli %arg1, %mul3A_14 : i32
    "tpu.region"() ({
      %run_scoped3A = tpu.sem_alloc : memref<!tpu.dma_semaphore, #tpu.memory_space<semaphore_mem>>
      %dma_start3A = arith.constant 0 : i32
      %dma_start3A_16 = tpu.memref_slice %arg5[%arg0, %mul3A_15, %dma_start3A] : memref<2x10240x16xf32, #tpu.memory_space<hbm>> -> memref<1x640x16xf32, #tpu.memory_space<hbm>>
      %dma_start3A_17 = tpu.memref_squeeze %dma_start3A_16 : memref<1x640x16xf32, #tpu.memory_space<hbm>> -> memref<640x16xf32, #tpu.memory_space<hbm>>
      %dma_start3A_18 = arith.constant 0 : i32
      %dma_start3A_19 = tpu.memref_slice %arg8[%mul3A_13, %dma_start3A_18] : memref<10240x16xf32, #tpu.memory_space<vmem_shared>> -> memref<640x16xf32, #tpu.memory_space<vmem_shared>>
      tpu.enqueue_dma source(%dma_start3A_19 : memref<640x16xf32, #tpu.memory_space<vmem_shared>>) target(%dma_start3A_17 : memref<640x16xf32, #tpu.memory_space<hbm>>) target_semaphore(%run_scoped3A : memref<!tpu.dma_semaphore, #tpu.memory_space<semaphore_mem>>)
      %dma_wait3A = arith.constant 0 : i32
      %dma_wait3A_20 = tpu.memref_slice %arg5[%arg0, %mul3A_15, %dma_wait3A] : memref<2x10240x16xf32, #tpu.memory_space<hbm>> -> memref<1x640x16xf32, #tpu.memory_space<hbm>>
      %dma_wait3A_21 = tpu.memref_squeeze %dma_wait3A_20 : memref<1x640x16xf32, #tpu.memory_space<hbm>> -> memref<640x16xf32, #tpu.memory_space<hbm>>
      %dma_wait3A_22 = arith.constant 0 : i32
      %dma_wait3A_23 = tpu.memref_slice %arg8[%mul3A_13, %dma_wait3A_22] : memref<10240x16xf32, #tpu.memory_space<vmem_shared>> -> memref<640x16xf32, #tpu.memory_space<vmem_shared>>
      tpu.wait_dma2 semaphore(%run_scoped3A : memref<!tpu.dma_semaphore, #tpu.memory_space<semaphore_mem>>) src(%dma_wait3A_23 : memref<640x16xf32, #tpu.memory_space<vmem_shared>>) dst(%dma_wait3A_21 : memref<640x16xf32, #tpu.memory_space<hbm>>)
      tpu.yield
    }) : () -> ()
    return
  }
}

</mosaic_0001>

<sc_bundles>
// kernel: _deg_call.3.cloned.1.call-start
scs
__scs_entry_jumppad:
0x0: {  	(pc) =	sbr.rel $0x88, $3  }
0x1: {  	(tag) =	ssettag $0x0;
	lr =	simm.s32 $0x1  }
0x2: {  	[smem:$0x3F9E] =	sst lr;
	_ =	strace $0xD0000000  }
0x3: {  	_ = 	snop  }
0x4: {  	_ = 	snop  }
0x5: {  	_ = 	snop  }
0x6: {  	_ = 	snop  }
0x7: {  	_ = 	snop  }
__scs_overlays_trampoline_lowered:
0x8: {  	[smem:$0x3FAD] =	sst s0  }
0x9: {  	[smem:$0x3FAE] =	sst s1  }
0xa: {  	[smem:$0x3FAF] =	sst s2  }
0xb: {  	[smem:$0x3FB0] =	sst s3  }
0xc: {  	[smem:$0x3FB1] =	sst s4  }
0xd: {  	[smem:$0x3FB2] =	sst s5  }
0xe: {  	[smem:$0x3FB3] =	sst s6  }
0xf: {  	[smem:$0x3FB4] =	sst s7  }
0x10: {  	[smem:$0x3FB5] =	sst s8  }
0x11: {  	[smem:$0x3FB6] =	sst s9;
	s0 =	simm.s32 @!p0 $0x0  }
0x12: {  	s1 =	sld [smem:$0x3F9C];
	s0 =	simm.s32 @p0 $0x1  }
0x13: {  	[smem:$0x3FB7] =	sst s0;
	s0 =	simm.s32 @!p1 $0x0  }
0x14: {  	s2 =	sld [smem:$0x3F9B];
	s0 =	simm.s32 @p1 $0x1  }
0x15: {  	[smem:$0x3FB8] =	sst s0;
	s0 =	simm.s32 @!p2 $0x0  }
0x16: {  	s3 =	sld [smem:$0x3FDB];
	s0 =	simm.s32 @p2 $0x1  }
0x17: {  	s4 =	simm.s32 $0x1BF5;
	[smem:$0x3FBA] =	sst s0  }
0x18: {  	s0 =	sld [smem:$0x3F9D];
	_ =	swait.ge [sflag:s4], $0x0  }
0x19: {  	s7 =	sld [smem:$0x3F9E]  }
0x1a: {  	s8 =	sadd.s32 $0xFFFFE003, lr  }
0x1b: {  	s9 =	sadd.s32 $0xFFFFFEF7, lr;
	s5 =	simm.s32 $0xFFFFFFFF;
	p2 =	slt.u32 s8, $0xFFFFF086  }
0x1c: {  	p1 =	slt.u32 s9, $0xF7A;
	s5 =	simm.s32 @!p2 $0x0  }
0x1d: {  	s5 =	simm.s32 @p1 $0x1;
	p0 =	seq.s32 s7, s2  }
0x1e: {  	s7 =	smul.u32 @!p0 $0xF7A, s2;
	p2 =	seq.s32 @!p0 s5, $0x0  }
0x1f: {  	s9 =	smul.u32 $0xF7A, s1;
	s8 =	simm.s32 @!p0 $0x1BF5;
	p2 =	por !p2, p0  }
0x20: {  	[sflag:s8] =	ssyncset.s32 @!p0 $0xFFFFF086;
	s6 =	sadd.s32 @!p0 s3, s7;
	s7 =	simm.s32 @!p0 $0x108  }
0x21: {  	s3 =	sadd.s32 s3, s9;
	s6 =	sadd.s32 @!p0 $0x88, s6;
	s7 =	simm.s32 @p2 $0x1082  }
0x22: {  	[simem:s7], [sflag:s8] =	dma.local @!p0 [hbm:s6], $0xF7A  }
0x23: {  	s9 =	sor.u32 $0xD0000000, s2;
	s6 =	simm.s32 $0x108;
	_ =	swait.ge @!p0 [sflag:s8], $0x0  }
0x24: {  	s3 =	sadd.s32 $0x88, s3;
	s6 =	simm.s32 @!p1 $0x1082;
	[sflag:s4] =	ssyncset.s32 $0xFFFFF086  }
0x25: {  	[simem:s6], [sflag:s4] =	dma.local [hbm:s3], $0xF7A  }
0x26: {  	[smem:$0x3F9E] =	sst s1;
	(tag) =	ssettag s2;
	_ =	strace s9  }
0x27: {  	s1 =	sld [smem:$0x3FAE]  }
0x28: {  	s2 =	sld [smem:$0x3FAF]  }
0x29: {  	s4 =	sld [smem:$0x3FB1]  }
0x2a: {  	p0 =	seq.s32 s5, $0x0;
	s5 =	sld [smem:$0x3FB2]  }
0x2b: {  	s6 =	sld [smem:$0x3FB3]  }
0x2c: {  	s7 =	sld [smem:$0x3FB4]  }
0x2d: {  	s3 =	simm.s32 $0x108;
	s8 =	sld [smem:$0x3FB5]  }
0x2e: {  	s3 =	simm.s32 @!p0 $0x1082;
	s9 =	sld [smem:$0x3FB6]  }
0x2f: {  	lr =	sadd.s32 s0, s3;
	s0 =	sld [smem:$0x3FAD]  }
0x30: {  	s3 =	sld [smem:$0x3FB0]  }
0x31: {  	[smem:$0x3FB9] =	sst s10  }
0x32: {  	s10 =	sld [smem:$0x3FB7];
	_ =	sdelay $0x3  }
0x33: {  	p0 =	seq.s32 s10, $0x1;
	s10 =	sld [smem:$0x3FB9];
	_ =	sdelay $0x3  }
0x34: {  	[smem:$0x3FB9] =	sst s10  }
0x35: {  	s10 =	sld [smem:$0x3FB8];
	_ =	sdelay $0x3  }
0x36: {  	p1 =	seq.s32 s10, $0x1;
	s10 =	sld [smem:$0x3FB9];
	_ =	sdelay $0x3  }
0x37: {  	[smem:$0x3FB9] =	sst s10  }
0x38: {  	s10 =	sld [smem:$0x3FBA]  }
0x39: {  	_ = 	snop;
	(pc) =	sbr.ind lr, $3  }
0x3a: {  	_ = 	snop  }
0x3b: {  	_ = 	snop  }
0x3c: {  	p2 =	seq.s32 s10, $0x1;
	s10 =	sld [smem:$0x3FB9]  }
0x3d: {  	_ =	shalt  }
0x3e: {  	_ =	shalt  }
0x3f: {  	_ =	shalt  }
0x40: {  	_ =	shalt  }
0x41: {  	_ =	shalt  }
0x42: {  	_ =	shalt  }
0x43: {  	_ =	shalt  }
0x44: {  	_ =	shalt  }
0x45: {  	_ =	shalt  }
0x46: {  	_ =	shalt  }
0x47: {  	_ =	shalt  }
0x48: {  	_ =	shalt  }
0x49: {  	_ =	shalt  }
0x4a: {  	_ =	shalt  }
0x4b: {  	_ =	shalt  }
0x4c: {  	_ =	shalt  }
0x4d: {  	_ =	shalt  }
0x4e: {  	_ =	shalt  }
0x4f: {  	_ =	shalt  }
0x50: {  	_ =	shalt  }
0x51: {  	_ =	shalt  }
0x52: {  	_ =	shalt  }
0x53: {  	_ =	shalt  }
0x54: {  	_ =	shalt  }
0x55: {  	_ =	shalt  }
0x56: {  	_ =	shalt  }
0x57: {  	_ =	shalt  }
0x58: {  	_ =	shalt  }
0x59: {  	_ =	shalt  }
0x5a: {  	_ =	shalt  }
0x5b: {  	_ =	shalt  }
0x5c: {  	_ =	shalt  }
0x5d: {  	_ =	shalt  }
0x5e: {  	_ =	shalt  }
0x5f: {  	_ =	shalt  }
0x60: {  	_ =	shalt  }
0x61: {  	_ =	shalt  }
0x62: {  	_ =	shalt  }
0x63: {  	_ =	shalt  }
0x64: {  	_ =	shalt  }
0x65: {  	_ =	shalt  }
0x66: {  	_ =	shalt  }
0x67: {  	_ =	shalt  }
0x68: {  	_ =	shalt  }
0x69: {  	_ =	shalt  }
0x6a: {  	_ =	shalt  }
0x6b: {  	_ =	shalt  }
0x6c: {  	_ =	shalt  }
0x6d: {  	_ =	shalt  }
0x6e: {  	_ =	shalt  }
0x6f: {  	_ =	shalt  }
0x70: {  	_ =	shalt  }
0x71: {  	_ =	shalt  }
0x72: {  	_ =	shalt  }
0x73: {  	_ =	shalt  }
0x74: {  	_ =	shalt  }
0x75: {  	_ =	shalt  }
0x76: {  	_ =	shalt  }
0x77: {  	_ =	shalt  }
0x78: {  	_ =	shalt  }
0x79: {  	_ =	shalt  }
0x7a: {  	_ =	shalt  }
0x7b: {  	_ =	shalt  }
0x7c: {  	_ =	shalt  }
0x7d: {  	_ =	shalt  }
0x7e: {  	_ =	shalt  }
0x7f: {  	_ =	shalt  }
0x80: {  	_ =	shalt  }
0x81: {  	_ =	shalt  }
0x82: {  	_ =	shalt  }
0x83: {  	_ =	shalt  }
0x84: {  	_ =	shalt  }
0x85: {  	_ =	shalt  }
0x86: {  	_ =	shalt  }
0x87: {  	_ =	shalt  }
.Lfunc_end0:
.L_simem_size_0:
called_computation_lowered:
.L_overlay_start_0:
0x88: {  	s2 =	sld [smem:$0x3FD9]  }
0x89: {  	s3 =	sld [smem:$0x3FFE];
	_ =	sdelay $0x1  }
0x8a: {  	s1 =	srdreg.scid  }
0x8b: {  	s0 =	sand.u32 $0x1, s1  }
0x8c: {  	s17 =	sshll.u32 s0, $0xA;
	s2 =	sadd.s32 s3, s2  }
0x8d: {  	s2 =	sadd.s32 s2, s17  }
0x8e: {  	[smem:$0x3FC5] =	sst s2  }
0x8f: {  	_ = 	snop  }
0x90: {  	s2 =	sld [smem:$0x3FD0];
	(tm) =	ssettm $0x1  }
0x91: {  	s18 =	sld [smem:$0x3FFB];
	_ =	sdelay $0x3  }
0x92: {  	_ =	strace s18  }
0x93: {  	s3 =	sld [smem:$0x3FFC];
	_ =	sdelay $0x3  }
0x94: {  	_ =	strace s3  }
0x95: {  	s3 =	sld [smem:$0x3FFD];
	_ =	sdelay $0x3  }
0x96: {  	_ =	strace s3  }
0x97: {  	_ =	strace $0x8FFFFFFF  }
0x98: {  	s19 =	sld [smem:$0x3FDB];
	_ =	sdelay $0x1  }
0x99: {  	s4 =	simm.s32 $_scs_section_size  }
0x9a: {  	s5 =	simm.s32 $_size__tile_overlayer_lowered;
	s6 =	simm.s32 $_tile_overlayer_lowered  }
0x9b: {  	s22 =	simm.s32 $0x1BFF;
	s21 =	sshll.u32 s6, $0x1;
	s3 =	sadd.s32 s4, s19  }
0x9c: {  	s7 =	simm.s32 $0x0;
	s20 =	sshll.u32 s5, $0x1;
	s5 =	sadd.s32 s21, s3  }
0x9d: {  	[timem:s7], [sflag:s22] =	dma.local [hbm:s5], s20  }
0x9e: {  	_ =	swait.ge [sflag:s22], s20  }
0x9f: {  	s4 =	ssub.s32 $0x0, s20;
	[sflag:s22] =	ssyncset.done $0x0  }
0xa0: {  	[sflag:s22] =	ssyncadd.s32 s4;
	_ =	sdelay $0x1  }
0xa1: {  	s23 =	simm.s32 $0x1B8B  }
0xa2: {  	_ =	swait.ge [sflag:s23], $0x1  }
0xa3: {  	[sflag:s23] =	ssyncset.done $0x0  }
0xa4: {  	s25 =	simm.s32 $0x1B8E;
	s24 =	sld [smem:$0x3FFE];
	[sflag:s23] =	ssyncadd.s32 $0xFFFFFFFF  }
0xa5: {  	s26 =	simm.s32 $execute0_lowered;
	[smem:$0x3FD2] =	sst s25  }
0xa6: {  	s5 =	sshll.u32 s26, $0x1;
	_ =	strace $0x80000046;
	[dreg:$0x1] =	wrdreg $0xFFFFFFFF  }
0xa7: {  	s28 =	simm.s32 $_size_execute0_lowered;
	s3 =	sadd.s32 s3, s5;
	[dreg:$0x0] =	wrdreg $0x0  }
0xa8: {  	s5 =	sshll.u32 s28, $0x1;
	[dreg:$0x2] =	wrdreg s3  }
0xa9: {  	[dreg:$0x3] =	wrdreg s5  }
0xaa: {  	[dreg:$0x4] =	wrdreg $0xC0  }
0xab: {  	_ =	task [dreg:s7], $0x5FFFF  }
0xac: {  	[dreg:$0x1] =	wrdreg $0xFFFFFFFF  }
0xad: {  	[dreg:$0x0] =	wrdreg $0x60  }
0xae: {  	[dreg:$0x2] =	wrdreg s24  }
0xaf: {  	[dreg:$0x3] =	wrdreg s2  }
0xb0: {  	[dreg:$0x4] =	wrdreg $0x2F800  }
0xb1: {  	[dreg:$0x5] =	wrdreg $0x9  }
0xb2: {  	_ =	task.clear_ibuf [dreg:s7], $0x6FFFF;
	_ =	strace $0x90000046  }
0xb3: {  	s29 =	simm.s32 $0x9;
	_ =	strace $0x80000048  }
0xb4: {  	_ =	swait.ge [sflag:s29], $0x1  }
0xb5: {  	[sflag:s29] =	ssyncadd.s32 $0xFFFFFFFF  }
0xb6: {  	_ =	strace $0x90000048  }
0xb7: {  	_ =	sfence  }
0xb8: {  	s30 =	sld [smem:$0x0];
	_ =	sdelay $0x2  }
0xb9: {  	s31 =	sshll.u32 s1, $0xD;
	s1 =	sshrl.u32 s1, $0x2  }
0xba: {  	s3 =	sand.u32 $0x4000, s31;
	s1 =	sadd.s32 s1, s30  }
0xbb: {  	s0 =	sor.u32 s3, s0;
	s1 =	sshll.u32 s1, $0x11  }
0xbc: {  	s0 =	sor.u32 s1, s0  }
0xbd: {  	s0 =	sadd.s32 $0x8F2B, s0  }
0xbe: {  	[sflag:s0] =	ssyncadd.remote.s32 $0x1  }
0xbf: {  	_ =	sfence.sel $0xFFFF  }
0xc0: {  	[dreg:$0x0] =	wrdreg $0xFFFFFFFF;
	(pc) =	sbr.abs _section_cstart, $3  }
0xc1: {  	[dreg:$0x1] =	wrdreg $0xFFFFFFFF  }
0xc2: {  	_ =	task.clear_ibuf [dreg:s7], $0x2FFFF;
	_ =	strace $0x9FFFFFFF  }
0xc3: {  	(tm) =	ssettm $0x7FFFFFFF  }
tec
execute0_lowered:
.L_overlay_start_1:
0x0: {  	(tag) =	ssettag $0x1  }
0x1: {  	s5 =	rddreg [dreg:$0x0]  }
0x2: {  	s0 =	srdreg.scid;
	s8 =	rddreg [dreg:$0x1]  }
0x3: {  	s2 =	rddreg [dreg:$0x2];
	s3 =	simm.s32 $0x0;
	s13 =	simm.s32 $0x80  }
0x4: {  	s14 =	simm.s32 $0x0;
	s4 =	sand.u32 $0x1, s0;
	s0 =	stileid.u32  }
0x5: {  	[smem:$0x7FF] =	sst s3;
	s1 =	sshll.u32 s4, $0x4;
	s7 =	smul.u32 $0x2800, s0  }
0x6: {  	s10 =	ssub.s32 $0x2, s4;
	s11 =	smul.u32 $0x28000, s4;
	s4 =	sadd.s32 $0x600, s5  }
0x7: {  	s31 =	sshll.u32 s0, $0x6;
	s6 =	sor.u32 s0, s1;
	s1 =	rddreg [dreg:$0x3]  }
0x8: {  	_ =	strace $0x80000047;
	s29 =	sshrl.u32 s10, $0x1;
	s6 =	smul.u32 $0x4F0, s6  }
0x9: {  	s28 =	sshrl.u32 s7, $0x3;
	s10 =	ssub.s32 s10, s29;
	s30 =	sadd.s32 s7, s11  }
0xa: {  	s12 =	sadd.s32 s7, s2;
	s11 =	sshrl.u32 s30, $0x3;
	s9 =	sadd.s32 s6, s5  }
0xb: {  	s5 =	sadd.s32 s28, s5;
	s6 =	sor.u32 $0x1C01, s31;
	s8 =	sadd.s32 s8, s11  }
0xc: {  	s11 =	simm.s32 $0x1;
	s5 =	sadd.s32 $0xA600, s5;
	s7 =	sadd.s32 $0x800, s9  }
0xd: {  	s9 =	smax.u32 s10, $0x1;
	s10 =	sshrl.u32 s12, $0x3;
	s12 =	simm.s32 $0x2780  }
.LBB2_1:
0xe: {  	[spmem:s10], [sflag:s6] =	dma.local [hbm:s5], $0x500  }
0xf: {  	_ =	swait.ge [sflag:s11], $0x500  }
0x10: {  	[sflag:s11] =	ssyncset.done $0x0  }
0x11: {  	[sflag:s11] =	ssyncadd.s32 $0xFFFFFB00  }
0x12: {  	[tilespmem:s3], [sflag:$0x1] =	stream.linear.gather [hbm4b:s7+s3], $0x2780, $0x38;
	[tilespmem:$0x5780] =	vst v63  }
0x13: {  	_ =	swait.ge [sflag:s11], $0x2780  }
0x14: {  	[sflag:s11] =	ssyncset.done $0x0  }
0x15: {  	[sflag:s11] =	ssyncadd.s32 $0xFFFFD880  }
0x16: {  	[tilespmem:s12], [sflag:$0x1] =	stream.linear.gather [hbm4b:s4+s3], $0x800, $0x38;
	[tilespmem:$0x5780] =	vst v63  }
0x17: {  	_ =	swait.ge [sflag:s11], $0x800  }
0x18: {  	[sflag:s11] =	ssyncset.done $0x0  }
0x19: {  	[sflag:s11] =	ssyncadd.s32 $0xFFFFF800  }
0x1a: {  	s15 =	simm.s32 $0x0;
	[bflag:$0x0] =	sbarrier.arrive $0xFFFF  }
0x1b: {  	[spmem:s2] =	stream.indirect.scatter.add.f32 [tilespmem:s12], [sflag:$0x1], $0x10, s15, s13, $0xb8;
	[tilespmem:$0x5780] =	vst v63  }
0x1c: {  	_ =	swait.ge [sflag:s11], $0x800  }
0x1d: {  	s15 =	simm.s32 $0x200;
	[sflag:s11] =	ssyncset.done $0x0  }
.LBB2_2:
0x1e: {  	s16 =	sshra.s32 s15, $0x2;
	[sflag:s11] =	ssyncadd.s32 $0xFFFFF800;
	p0 =	sne.s32 s15, $0x9C00  }
0x1f: {  	[spmem:s2] =	stream.indirect.scatter.add.f32 [tilespmem:s12], [sflag:$0x1], $0x10, s16, s13, $0xb8;
	[tilespmem:$0x5780] =	vst v63  }
.Ltmp0:
0x20: {  	_ = 	snop;
	(pc) =	sbr.rel @p0 .LBB2_2-.Ltmp0, $4  }
0x21: {  	_ = 	snop  }
0x22: {  	s15 =	sadd.s32 $0x200, s15  }
0x23: {  	_ =	swait.ge [sflag:s11], $0x800  }
0x24: {  	[sflag:s11] =	ssyncset.done $0x0  }
0x25: {  	s14 =	sadd.s32 $0x1, s14  }
0x26: {  	[sflag:s11] =	ssyncadd.s32 $0xFFFFF800;
	p0 =	sne.s32 s14, s9  }
.Ltmp1:
0x27: {  	[bflag:$0x0] =	sbarrier.arrive $0xFFFF;
	(pc) =	sbr.rel @p0 .LBB2_1-.Ltmp1, $4  }
0x28: {  	[hbm:s8], [sflag:s6] =	dma.local [spmem:s10], $0x500  }
0x29: {  	_ =	swait.ge [sflag:s11], $0x500  }
0x2a: {  	[sflag:s11] =	ssyncset.done $0x0  }
0x2b: {  	[sflag:s11] =	ssyncadd.s32 $0xFFFFFB00  }
0x2c: {  	_ =	sfence.sel $0x180000  }
0x2d: {  	[bflag:$0x0] =	sbarrier.arrive $0xFFFF  }
0x2e: {  	p0 =	sne.s32 s0, $0x0;
	_ =	strace $0x90000047  }
0x2f: {  	s0 =	sadd.s32 @!p0 $0x100000, s1;
	[bflag:$0x2] =	sbarrier.arrive $0xFFFF  }
0x30: {  	[sflag:s0] =	ssyncadd.tile.s32 @!p0 $0x1;
	_ =	shalt  }
.Lfunc_end2:
_tile_overlayer_lowered:
.L_overlay_start_2:
0x31: {  	(tag) =	ssettag $0x2  }
0x32: {  	s0 =	rddreg [dreg:$0x0];
	s2 =	stileid.u32  }
0x33: {  	s1 =	rddreg [dreg:$0x1];
	p0 =	sne.s32 s2, $0x0  }
0x34: {  	s3 =	rddreg [dreg:$0x2];
	[bflag:$0x3] =	sbarrier.arrive $0xFFFF;
	s2 =	simm.s32 @!p0 $0x1C01  }
0x35: {  	[timem:s3], [sflag:s2] =	dma.local @!p0 [hbm:s0], s1  }
0x36: {  	s0 =	simm.s32 @!p0 $0x1  }
0x37: {  	_ =	swait.ge @!p0 [sflag:s0], s1  }
0x38: {  	s1 =	ssub.s32 @!p0 $0x0, s1;
	[sflag:s0] =	ssyncset.done @!p0 $0x0  }
0x39: {  	[sflag:s0] =	ssyncadd.s32 @!p0 s1  }
0x3a: {  	[bflag:$0x3] =	sbarrier.arrive $0xFFFF  }
0x3b: {  	_ =	shalt  }

</sc_bundles>
